<compile_context>
chip_gen: v7x
topology: tpu7x:2x2x1
jax: 0.10.2.dev20260603
libtpu: 0.0.44.dev20260713+nightly
codegen_flags: <defaults>
</compile_context>

<pallas_src>
import functools

import jax
import jax.numpy as jnp
from jax import lax
from jax.experimental import pallas as pl
from jax.experimental.pallas import tpu as pltpu
from jax.experimental.pallas import tpu_sc as plsc

B = 4096
L = 200
DIM = 64
PAD = 128
VOCAB = 100000
ROWS = B * L

NC = 2
NS = 16
NW = NC * NS
ROWS_PER_W = ROWS // NW
CHUNK = 400
N_CHUNKS = ROWS_PER_W // CHUNK

_sc_mesh = plsc.VectorSubcoreMesh(core_axis_name="c", subcore_axis_name="s")


@functools.partial(
    pl.kernel,
    mesh=_sc_mesh,
    out_type=jax.ShapeDtypeStruct((ROWS, PAD), jnp.float32),
    scratch_types=[
        pltpu.VMEM((ROWS_PER_W,), jnp.int32),
        pltpu.VMEM((CHUNK, PAD), jnp.float32),
        pltpu.VMEM((CHUNK, PAD), jnp.float32),
        pltpu.SemaphoreType.DMA,
        pltpu.SemaphoreType.DMA,
        pltpu.SemaphoreType.DMA,
        pltpu.SemaphoreType.DMA,
    ],
)
def _sc_gather(idx_hbm, table_hbm, out_hbm, idx_v, rows0, rows1, sg0, sg1, so0, so1):
    wid = lax.axis_index("s") * NC + lax.axis_index("c")
    base = wid * ROWS_PER_W
    pltpu.sync_copy(idx_hbm.at[pl.ds(base, ROWS_PER_W)], idx_v)
    rows = (rows0, rows1)
    sg = (sg0, sg1)
    so = (so0, so1)

    def start_gather(i, b):
        pltpu.async_copy(
            table_hbm.at[idx_v.at[pl.ds(i * CHUNK, CHUNK)]], rows[b], sg[b]
        )

    def wait_gather(b):
        pltpu.make_async_copy(
            table_hbm.at[idx_v.at[pl.ds(0, CHUNK)]], rows[b], sg[b]
        ).wait()

    def start_out(i, b):
        pltpu.async_copy(rows[b], out_hbm.at[pl.ds(base + i * CHUNK, CHUNK)], so[b])

    def wait_out(b):
        pltpu.make_async_copy(
            rows[b], out_hbm.at[pl.ds(base, CHUNK)], so[b]
        ).wait()

    def body(t, carry):
        for bb in (0, 1):
            i = 2 * t + bb
            if bb == 0:
                @pl.when(t >= 1)
                def _():
                    wait_out(0)
            else:
                @pl.when(t >= 1)
                def _():
                    wait_out(1)
            start_gather(i, bb)
            if bb == 0:
                @pl.when(t >= 1)
                def _():
                    wait_gather(1)
                    start_out(i - 1, 1)
            else:
                wait_gather(0)
                start_out(i - 1, 0)
        return carry

    lax.fori_loop(0, N_CHUNKS // 2, body, 0)
    wait_gather(1)
    start_out(N_CHUNKS - 1, 1)
    wait_out(0)
    wait_out(1)


DBLK = 4096


def _dense_body(e_ref, wc_ref, bc_ref, wa_ref, ba_ref, o_ref):
    e = e_ref[:, :DIM]
    h = jnp.tanh(
        jax.lax.dot(e, wc_ref[...], preferred_element_type=jnp.float32)
        + bc_ref[...]
    )
    o_ref[...] = (
        e
        + jax.lax.dot(h, wa_ref[...], preferred_element_type=jnp.float32)
        + ba_ref[...]
    )


def _dense(emb, wc, bc, wa, ba):
    return pl.pallas_call(
        _dense_body,
        grid=(ROWS // DBLK,),
        in_specs=[
            pl.BlockSpec((DBLK, PAD), lambda i: (i, 0)),
            pl.BlockSpec((DIM, 3 * DIM), lambda i: (0, 0)),
            pl.BlockSpec((1, 3 * DIM), lambda i: (0, 0)),
            pl.BlockSpec((3 * DIM, DIM), lambda i: (0, 0)),
            pl.BlockSpec((1, DIM), lambda i: (0, 0)),
        ],
        out_specs=pl.BlockSpec((DBLK, DIM), lambda i: (i, 0)),
        out_shape=jax.ShapeDtypeStruct((ROWS, DIM), jnp.float32),
    )(emb, wc, bc, wa, ba)


def kernel(phoneme_input, table, W_ph, b_ph, W_em, b_em, W_vo, b_vo, W_al, b_al):
    idx = phoneme_input.reshape(-1).astype(jnp.int32)
    tpad = jnp.pad(table, ((0, 0), (0, PAD - DIM)))
    emb = _sc_gather(idx, tpad)
    wc = jnp.concatenate([W_ph.T, W_em.T, W_vo.T], axis=1)
    bc = jnp.concatenate([b_ph, b_em, b_vo]).reshape(1, 3 * DIM)
    wa = W_al.T
    ba = b_al.reshape(1, DIM)
    return _dense(emb, wc, bc, wa, ba).reshape(B, L, DIM)

# --- scband reference (transcript-rebuilt; emitter-appended) ---
"""Pipeline reference for scband-egyptian-phoneme-embedder-14611478741342 (READ-ONLY COPY).

The authoritative reference and input builder live on the scoring server;
editing this copy changes nothing except your own understanding.
"""

import jax, jax.numpy as jnp
import numpy as np

VOCAB = 100000
DIM = 64
B = 4096
L = 200

def setup_inputs(seed: int = 0) -> dict:
    key = jax.random.key(seed)
    ks = jax.random.split(key, 10)
    phoneme_input = jax.random.randint(ks[0], (B, L), 0, VOCAB, dtype=jnp.int64 if jax.config.read('jax_enable_x64') else jnp.int32)
    table = jax.random.normal(ks[1], (VOCAB, DIM), dtype=jnp.float32)
    s = 1.0 / np.sqrt(DIM)
    W_ph = jax.random.uniform(ks[2], (DIM, DIM), jnp.float32, -s, s)
    b_ph = jax.random.uniform(ks[3], (DIM,), jnp.float32, -s, s)
    W_em = jax.random.uniform(ks[4], (DIM, DIM), jnp.float32, -s, s)
    b_em = jax.random.uniform(ks[5], (DIM,), jnp.float32, -s, s)
    W_vo = jax.random.uniform(ks[6], (DIM, DIM), jnp.float32, -s, s)
    b_vo = jax.random.uniform(ks[7], (DIM,), jnp.float32, -s, s)
    s3 = 1.0 / np.sqrt(3 * DIM)
    W_al = jax.random.uniform(ks[8], (DIM, 3 * DIM), jnp.float32, -s3, s3)
    b_al = jax.random.uniform(ks[9], (DIM,), jnp.float32, -s3, s3)
    return {"phoneme_input": phoneme_input, "table": table,
            "W_ph": W_ph, "b_ph": b_ph, "W_em": W_em, "b_em": b_em,
            "W_vo": W_vo, "b_vo": b_vo, "W_al": W_al, "b_al": b_al}

def reference(phoneme_input, table, W_ph, b_ph, W_em, b_em, W_vo, b_vo, W_al, b_al):
    embedded = jnp.take(table, phoneme_input, axis=0)  # [B, L, DIM]
    pharyngeal = jnp.tanh(embedded @ W_ph.T + b_ph)
    emphatic = jnp.tanh(embedded @ W_em.T + b_em)
    vowel = jnp.tanh(embedded @ W_vo.T + b_vo)
    combined = jnp.concatenate([pharyngeal, emphatic, vowel], axis=-1)
    allophonic = combined @ W_al.T + b_al
    return embedded + allophonic

if __name__ == "__main__":
    import jax
    _d = setup_inputs()
    print(jax.jit(kernel)(*tuple(_d.values())))

</pallas_src>

<mosaic_0001>
#map = affine_map<(d0, d1) -> (0)>
#map1 = affine_map<(d0, d1) -> (0, 0)>
module attributes {stable_mosaic.version = 14 : i64} {
  func.func @_sc_gather(%arg0: i32, %arg1: i32, %arg2: memref<819200xi32, #tpu.memory_space<hbm>>, %arg3: memref<100000x128xf32, #tpu.memory_space<hbm>>, %arg4: memref<819200x128xf32, #tpu.memory_space<hbm>>, %arg5: memref<25600xi32, #tpu.memory_space<vmem>>, %arg6: memref<400x128xf32, #tpu.memory_space<vmem>>, %arg7: memref<400x128xf32, #tpu.memory_space<vmem>>, %arg8: memref<!tpu.dma_semaphore, #tpu.memory_space<semaphore_mem>>, %arg9: memref<!tpu.dma_semaphore, #tpu.memory_space<semaphore_mem>>, %arg10: memref<!tpu.dma_semaphore, #tpu.memory_space<semaphore_mem>>, %arg11: memref<!tpu.dma_semaphore, #tpu.memory_space<semaphore_mem>>) attributes {dimension_semantics = [#tpu.dimension_semantics<core_parallel>, #tpu.dimension_semantics<subcore_parallel>], iteration_bounds = array<i64: 2, 16>, scalar_prefetch = 0 : i64, scratch_operands = 7 : i64, tpu.core_type = #tpu.core_type<sc_vector_subcore>, window_params = [{transform_indices = #map}, {transform_indices = #map1}, {transform_indices = #map1}]} {
    %mul3A = arith.constant 2 : i32
    %mul3A_0 = arith.muli %arg1, %mul3A : i32
    %add3A = arith.addi %mul3A_0, %arg0 : i32
    %mul3A_1 = arith.constant 25600 : i32
    %mul3A_2 = arith.muli %add3A, %mul3A_1 : i32
    "tpu.region"() ({
      %run_scoped3A = tpu.sem_alloc : memref<!tpu.dma_semaphore, #tpu.memory_space<semaphore_mem>>
      %dma_start3A_25 = tpu.memref_slice %arg2[%mul3A_2] : memref<819200xi32, #tpu.memory_space<hbm>> -> memref<25600xi32, #tpu.memory_space<hbm>>
      %dma_start3A_26 = tpu.memref_slice %arg2[%mul3A_2] : memref<819200xi32, #tpu.memory_space<hbm>> -> memref<25600xi32, #tpu.memory_space<hbm>>
      tpu.enqueue_dma source(%dma_start3A_26 : memref<25600xi32, #tpu.memory_space<hbm>>) target(%arg5 : memref<25600xi32, #tpu.memory_space<vmem>>) target_semaphore(%run_scoped3A : memref<!tpu.dma_semaphore, #tpu.memory_space<semaphore_mem>>)
      %dma_wait3A_27 = tpu.memref_slice %arg2[%mul3A_2] : memref<819200xi32, #tpu.memory_space<hbm>> -> memref<25600xi32, #tpu.memory_space<hbm>>
      %dma_wait3A_28 = tpu.memref_slice %arg2[%mul3A_2] : memref<819200xi32, #tpu.memory_space<hbm>> -> memref<25600xi32, #tpu.memory_space<hbm>>
      tpu.wait_dma2 semaphore(%run_scoped3A : memref<!tpu.dma_semaphore, #tpu.memory_space<semaphore_mem>>) src(%dma_wait3A_28 : memref<25600xi32, #tpu.memory_space<hbm>>) dst(%arg5 : memref<25600xi32, #tpu.memory_space<vmem>>)
      tpu.yield
    }) : () -> ()
    %scan3A = arith.constant 0 : i32
    %scan3A_3 = arith.constant 0 : i32
    %scan3A_4 = arith.constant 32 : i32
    %scan3A_5 = arith.addi %scan3A_3, %scan3A_4 : i32
    %scan3A_6 = arith.constant 1 : i32
    scf.for %scan3A_25 = %scan3A_3 to %scan3A_5 step %scan3A_6  : i32 {
      %mul3A_26 = arith.constant 2 : i32
      %mul3A_27 = arith.muli %mul3A_26, %scan3A_25 : i32
      %add3A_28 = arith.constant 0 : i32
      %add3A_29 = arith.addi %mul3A_27, %add3A_28 : i32
      %ge3A = arith.constant 1 : i32
      %ge3A_30 = arith.cmpi sge, %scan3A_25, %ge3A : i32
      %convert_element_type3A = arith.extui %ge3A_30 : i1 to i32
      %cond3A = arith.constant 0 : i32
      %cond3A_31 = arith.cmpi ne, %convert_element_type3A, %cond3A : i32
      scf.if %cond3A_31 {
        %dma_wait3A_71 = arith.constant 0 : i32
        %dma_wait3A_72 = tpu.memref_slice %arg4[%mul3A_2, %dma_wait3A_71] : memref<819200x128xf32, #tpu.memory_space<hbm>> -> memref<400x128xf32, #tpu.memory_space<hbm>>
        %dma_wait3A_73 = arith.constant 0 : i32
        %dma_wait3A_74 = tpu.memref_slice %arg4[%mul3A_2, %dma_wait3A_73] : memref<819200x128xf32, #tpu.memory_space<hbm>> -> memref<400x128xf32, #tpu.memory_space<hbm>>
        tpu.wait_dma2 semaphore(%arg10 : memref<!tpu.dma_semaphore, #tpu.memory_space<semaphore_mem>>) src(%arg6 : memref<400x128xf32, #tpu.memory_space<vmem>>) dst(%dma_wait3A_74 : memref<400x128xf32, #tpu.memory_space<hbm>>)
      } else {
      }
      %mul3A_32 = arith.constant 400 : i32
      %mul3A_33 = arith.muli %add3A_29, %mul3A_32 : i32
      %dma_start3A_34 = tpu.memref_slice %arg5[%mul3A_33] : memref<25600xi32, #tpu.memory_space<vmem>> -> memref<400xi32, #tpu.memory_space<vmem>>
      %dma_start3A_35 = arith.constant 0 : i32
      %dma_start3A_36 = arith.constant 0 : i32
      %dma_start3A_37 = tpu.memref_slice %arg3[%dma_start3A_35, %dma_start3A_36] : memref<100000x128xf32, #tpu.memory_space<hbm>> -> memref<100000x128xf32, #tpu.memory_space<hbm>>
      tpu.enqueue_indirect_dma source(%dma_start3A_37 : memref<100000x128xf32, #tpu.memory_space<hbm>>) target(%arg6 : memref<400x128xf32, #tpu.memory_space<vmem>>) offsets(%dma_start3A_34 : memref<400xi32, #tpu.memory_space<vmem>>) semaphore(%arg8 : memref<!tpu.dma_semaphore, #tpu.memory_space<semaphore_mem>>)
      %ge3A_38 = arith.constant 1 : i32
      %ge3A_39 = arith.cmpi sge, %scan3A_25, %ge3A_38 : i32
      %convert_element_type3A_40 = arith.extui %ge3A_39 : i1 to i32
      %cond3A_41 = arith.constant 0 : i32
      %cond3A_42 = arith.cmpi ne, %convert_element_type3A_40, %cond3A_41 : i32
      scf.if %cond3A_42 {
        %dma_wait3A_71 = arith.constant 0 : i32
        %dma_wait3A_72 = tpu.memref_slice %arg5[%dma_wait3A_71] : memref<25600xi32, #tpu.memory_space<vmem>> -> memref<400xi32, #tpu.memory_space<vmem>>
        %dma_wait3A_73 = arith.constant 0 : i32
        %dma_wait3A_74 = arith.constant 0 : i32
        %dma_wait3A_75 = tpu.memref_slice %arg3[%dma_wait3A_73, %dma_wait3A_74] : memref<100000x128xf32, #tpu.memory_space<hbm>> -> memref<100000x128xf32, #tpu.memory_space<hbm>>
        tpu.wait_indirect_dma semaphore(%arg9 : memref<!tpu.dma_semaphore, #tpu.memory_space<semaphore_mem>>) src(%dma_wait3A_75 : memref<100000x128xf32, #tpu.memory_space<hbm>>) dst(%arg7 : memref<400x128xf32, #tpu.memory_space<vmem>>)
        %sub3A_76 = arith.constant 1 : i32
        %sub3A_77 = arith.subi %add3A_29, %sub3A_76 : i32
        %mul3A_78 = arith.constant 400 : i32
        %mul3A_79 = arith.muli %sub3A_77, %mul3A_78 : i32
        %add3A_80 = arith.addi %mul3A_2, %mul3A_79 : i32
        %dma_start3A_81 = arith.constant 0 : i32
        %dma_start3A_82 = tpu.memref_slice %arg4[%add3A_80, %dma_start3A_81] : memref<819200x128xf32, #tpu.memory_space<hbm>> -> memref<400x128xf32, #tpu.memory_space<hbm>>
        %dma_start3A_83 = arith.constant 0 : i32
        %dma_start3A_84 = tpu.memref_slice %arg4[%add3A_80, %dma_start3A_83] : memref<819200x128xf32, #tpu.memory_space<hbm>> -> memref<400x128xf32, #tpu.memory_space<hbm>>
        tpu.enqueue_dma source(%arg7 : memref<400x128xf32, #tpu.memory_space<vmem>>) target(%dma_start3A_84 : memref<400x128xf32, #tpu.memory_space<hbm>>) target_semaphore(%arg11 : memref<!tpu.dma_semaphore, #tpu.memory_space<semaphore_mem>>)
      } else {
      }
      %mul3A_43 = arith.constant 2 : i32
      %mul3A_44 = arith.muli %mul3A_43, %scan3A_25 : i32
      %add3A_45 = arith.constant 1 : i32
      %add3A_46 = arith.addi %mul3A_44, %add3A_45 : i32
      %ge3A_47 = arith.constant 1 : i32
      %ge3A_48 = arith.cmpi sge, %scan3A_25, %ge3A_47 : i32
      %convert_element_type3A_49 = arith.extui %ge3A_48 : i1 to i32
      %cond3A_50 = arith.constant 0 : i32
      %cond3A_51 = arith.cmpi ne, %convert_element_type3A_49, %cond3A_50 : i32
      scf.if %cond3A_51 {
        %dma_wait3A_71 = arith.constant 0 : i32
        %dma_wait3A_72 = tpu.memref_slice %arg4[%mul3A_2, %dma_wait3A_71] : memref<819200x128xf32, #tpu.memory_space<hbm>> -> memref<400x128xf32, #tpu.memory_space<hbm>>
        %dma_wait3A_73 = arith.constant 0 : i32
        %dma_wait3A_74 = tpu.memref_slice %arg4[%mul3A_2, %dma_wait3A_73] : memref<819200x128xf32, #tpu.memory_space<hbm>> -> memref<400x128xf32, #tpu.memory_space<hbm>>
        tpu.wait_dma2 semaphore(%arg11 : memref<!tpu.dma_semaphore, #tpu.memory_space<semaphore_mem>>) src(%arg7 : memref<400x128xf32, #tpu.memory_space<vmem>>) dst(%dma_wait3A_74 : memref<400x128xf32, #tpu.memory_space<hbm>>)
      } else {
      }
      %mul3A_52 = arith.constant 400 : i32
      %mul3A_53 = arith.muli %add3A_46, %mul3A_52 : i32
      %dma_start3A_54 = tpu.memref_slice %arg5[%mul3A_53] : memref<25600xi32, #tpu.memory_space<vmem>> -> memref<400xi32, #tpu.memory_space<vmem>>
      %dma_start3A_55 = arith.constant 0 : i32
      %dma_start3A_56 = arith.constant 0 : i32
      %dma_start3A_57 = tpu.memref_slice %arg3[%dma_start3A_55, %dma_start3A_56] : memref<100000x128xf32, #tpu.memory_space<hbm>> -> memref<100000x128xf32, #tpu.memory_space<hbm>>
      tpu.enqueue_indirect_dma source(%dma_start3A_57 : memref<100000x128xf32, #tpu.memory_space<hbm>>) target(%arg7 : memref<400x128xf32, #tpu.memory_space<vmem>>) offsets(%dma_start3A_54 : memref<400xi32, #tpu.memory_space<vmem>>) semaphore(%arg9 : memref<!tpu.dma_semaphore, #tpu.memory_space<semaphore_mem>>)
      %dma_wait3A_58 = arith.constant 0 : i32
      %dma_wait3A_59 = tpu.memref_slice %arg5[%dma_wait3A_58] : memref<25600xi32, #tpu.memory_space<vmem>> -> memref<400xi32, #tpu.memory_space<vmem>>
      %dma_wait3A_60 = arith.constant 0 : i32
      %dma_wait3A_61 = arith.constant 0 : i32
      %dma_wait3A_62 = tpu.memref_slice %arg3[%dma_wait3A_60, %dma_wait3A_61] : memref<100000x128xf32, #tpu.memory_space<hbm>> -> memref<100000x128xf32, #tpu.memory_space<hbm>>
      tpu.wait_indirect_dma semaphore(%arg8 : memref<!tpu.dma_semaphore, #tpu.memory_space<semaphore_mem>>) src(%dma_wait3A_62 : memref<100000x128xf32, #tpu.memory_space<hbm>>) dst(%arg6 : memref<400x128xf32, #tpu.memory_space<vmem>>)
      %sub3A = arith.constant 1 : i32
      %sub3A_63 = arith.subi %add3A_46, %sub3A : i32
      %mul3A_64 = arith.constant 400 : i32
      %mul3A_65 = arith.muli %sub3A_63, %mul3A_64 : i32
      %add3A_66 = arith.addi %mul3A_2, %mul3A_65 : i32
      %dma_start3A_67 = arith.constant 0 : i32
      %dma_start3A_68 = tpu.memref_slice %arg4[%add3A_66, %dma_start3A_67] : memref<819200x128xf32, #tpu.memory_space<hbm>> -> memref<400x128xf32, #tpu.memory_space<hbm>>
      %dma_start3A_69 = arith.constant 0 : i32
      %dma_start3A_70 = tpu.memref_slice %arg4[%add3A_66, %dma_start3A_69] : memref<819200x128xf32, #tpu.memory_space<hbm>> -> memref<400x128xf32, #tpu.memory_space<hbm>>
      tpu.enqueue_dma source(%arg6 : memref<400x128xf32, #tpu.memory_space<vmem>>) target(%dma_start3A_70 : memref<400x128xf32, #tpu.memory_space<hbm>>) target_semaphore(%arg10 : memref<!tpu.dma_semaphore, #tpu.memory_space<semaphore_mem>>)
    }
    %scan3A_7 = arith.constant 32 : i32
    %dma_wait3A = arith.constant 0 : i32
    %dma_wait3A_8 = tpu.memref_slice %arg5[%dma_wait3A] : memref<25600xi32, #tpu.memory_space<vmem>> -> memref<400xi32, #tpu.memory_space<vmem>>
    %dma_wait3A_9 = arith.constant 0 : i32
    %dma_wait3A_10 = arith.constant 0 : i32
    %dma_wait3A_11 = tpu.memref_slice %arg3[%dma_wait3A_9, %dma_wait3A_10] : memref<100000x128xf32, #tpu.memory_space<hbm>> -> memref<100000x128xf32, #tpu.memory_space<hbm>>
    tpu.wait_indirect_dma semaphore(%arg9 : memref<!tpu.dma_semaphore, #tpu.memory_space<semaphore_mem>>) src(%dma_wait3A_11 : memref<100000x128xf32, #tpu.memory_space<hbm>>) dst(%arg7 : memref<400x128xf32, #tpu.memory_space<vmem>>)
    %add3A_12 = arith.constant 25200 : i32
    %add3A_13 = arith.addi %mul3A_2, %add3A_12 : i32
    %dma_start3A = arith.constant 0 : i32
    %dma_start3A_14 = tpu.memref_slice %arg4[%add3A_13, %dma_start3A] : memref<819200x128xf32, #tpu.memory_space<hbm>> -> memref<400x128xf32, #tpu.memory_space<hbm>>
    %dma_start3A_15 = arith.constant 0 : i32
    %dma_start3A_16 = tpu.memref_slice %arg4[%add3A_13, %dma_start3A_15] : memref<819200x128xf32, #tpu.memory_space<hbm>> -> memref<400x128xf32, #tpu.memory_space<hbm>>
    tpu.enqueue_dma source(%arg7 : memref<400x128xf32, #tpu.memory_space<vmem>>) target(%dma_start3A_16 : memref<400x128xf32, #tpu.memory_space<hbm>>) target_semaphore(%arg11 : memref<!tpu.dma_semaphore, #tpu.memory_space<semaphore_mem>>)
    %dma_wait3A_17 = arith.constant 0 : i32
    %dma_wait3A_18 = tpu.memref_slice %arg4[%mul3A_2, %dma_wait3A_17] : memref<819200x128xf32, #tpu.memory_space<hbm>> -> memref<400x128xf32, #tpu.memory_space<hbm>>
    %dma_wait3A_19 = arith.constant 0 : i32
    %dma_wait3A_20 = tpu.memref_slice %arg4[%mul3A_2, %dma_wait3A_19] : memref<819200x128xf32, #tpu.memory_space<hbm>> -> memref<400x128xf32, #tpu.memory_space<hbm>>
    tpu.wait_dma2 semaphore(%arg10 : memref<!tpu.dma_semaphore, #tpu.memory_space<semaphore_mem>>) src(%arg6 : memref<400x128xf32, #tpu.memory_space<vmem>>) dst(%dma_wait3A_20 : memref<400x128xf32, #tpu.memory_space<hbm>>)
    %dma_wait3A_21 = arith.constant 0 : i32
    %dma_wait3A_22 = tpu.memref_slice %arg4[%mul3A_2, %dma_wait3A_21] : memref<819200x128xf32, #tpu.memory_space<hbm>> -> memref<400x128xf32, #tpu.memory_space<hbm>>
    %dma_wait3A_23 = arith.constant 0 : i32
    %dma_wait3A_24 = tpu.memref_slice %arg4[%mul3A_2, %dma_wait3A_23] : memref<819200x128xf32, #tpu.memory_space<hbm>> -> memref<400x128xf32, #tpu.memory_space<hbm>>
    tpu.wait_dma2 semaphore(%arg11 : memref<!tpu.dma_semaphore, #tpu.memory_space<semaphore_mem>>) src(%arg7 : memref<400x128xf32, #tpu.memory_space<vmem>>) dst(%dma_wait3A_24 : memref<400x128xf32, #tpu.memory_space<hbm>>)
    return
  }
}

module attributes {stable_mosaic.version = 14 : i64} {
  func.func @_dense_body(%arg0: i32, %arg1: memref<4096x128xf32, #tpu.memory_space<vmem>>, %arg2: memref<64x192xf32, #tpu.memory_space<vmem>>, %arg3: memref<1x192xf32, #tpu.memory_space<vmem>>, %arg4: memref<192x64xf32, #tpu.memory_space<vmem>>, %arg5: memref<1x64xf32, #tpu.memory_space<vmem>>, %arg6: memref<4096x64xf32, #tpu.memory_space<vmem>>) attributes {dimension_semantics = [#tpu.dimension_semantics<arbitrary>], iteration_bounds = array<i64: 200>, scalar_prefetch = 0 : i64, scratch_operands = 0 : i64, tpu.core_type = #tpu.core_type<tc>, window_params = [{transform_indices = @transform_0, window_bounds = array<i64: 4096, 128>}, {pipeline_mode = #tpu.pipeline_mode<synchronous>, transform_indices = @transform_1, window_bounds = array<i64: 64, 192>}, {pipeline_mode = #tpu.pipeline_mode<synchronous>, transform_indices = @transform_2, window_bounds = array<i64: 1, 192>}, {pipeline_mode = #tpu.pipeline_mode<synchronous>, transform_indices = @transform_3, window_bounds = array<i64: 192, 64>}, {pipeline_mode = #tpu.pipeline_mode<synchronous>, transform_indices = @transform_4, window_bounds = array<i64: 1, 64>}, {transform_indices = @transform_5, window_bounds = array<i64: 4096, 64>}]} {
    %get3A = arith.constant 0 : index
    %get3A_0 = arith.constant 0 : index
    %get3A_1 = vector.load %arg1[%get3A, %get3A_0] : memref<4096x128xf32, #tpu.memory_space<vmem>>, vector<4096x64xf32>
    %get3A_2 = arith.constant 0 : index
    %get3A_3 = arith.constant 0 : index
    %get3A_4 = vector.load %arg2[%get3A_2, %get3A_3] : memref<64x192xf32, #tpu.memory_space<vmem>>, vector<64x192xf32>
    %dot_general3A = arith.constant dense<0.000000e+00> : vector<4096x192xf32>
    %dot_general3A_5 = tpu.matmul %get3A_1, %get3A_4, %dot_general3A {dimension_numbers = #tpu.dot_dimension_numbers<[1], [0], [0], [1], [0, 0, 1, 1], [], []>, transpose_lhs_hint = false} : vector<4096x64xf32>, vector<64x192xf32>, vector<4096x192xf32> -> vector<4096x192xf32>
    %get3A_6 = arith.constant 0 : index
    %get3A_7 = arith.constant 0 : index
    %get3A_8 = vector.load %arg3[%get3A_6, %get3A_7] : memref<1x192xf32, #tpu.memory_space<vmem>>, vector<1x192xf32>
    %add3A = vector.broadcast %get3A_8 : vector<1x192xf32> to vector<4096x192xf32>
    %add3A_9 = arith.addf %dot_general3A_5, %add3A : vector<4096x192xf32>
    %tanh3A = math.tanh %add3A_9 : vector<4096x192xf32>
    %get3A_10 = arith.constant 0 : index
    %get3A_11 = arith.constant 0 : index
    %get3A_12 = vector.load %arg4[%get3A_10, %get3A_11] : memref<192x64xf32, #tpu.memory_space<vmem>>, vector<192x64xf32>
    %dot_general3A_13 = arith.constant dense<0.000000e+00> : vector<4096x64xf32>
    %dot_general3A_14 = tpu.matmul %tanh3A, %get3A_12, %dot_general3A_13 {dimension_numbers = #tpu.dot_dimension_numbers<[1], [0], [0], [1], [0, 0, 1, 1], [], []>, transpose_lhs_hint = false} : vector<4096x192xf32>, vector<192x64xf32>, vector<4096x64xf32> -> vector<4096x64xf32>
    %add3A_15 = arith.addf %get3A_1, %dot_general3A_14 : vector<4096x64xf32>
    %get3A_16 = arith.constant 0 : index
    %get3A_17 = arith.constant 0 : index
    %get3A_18 = vector.load %arg5[%get3A_16, %get3A_17] : memref<1x64xf32, #tpu.memory_space<vmem>>, vector<1x64xf32>
    %add3A_19 = vector.broadcast %get3A_18 : vector<1x64xf32> to vector<4096x64xf32>
    %add3A_20 = arith.addf %add3A_15, %add3A_19 : vector<4096x64xf32>
    %swap3A = arith.constant 0 : index
    %swap3A_21 = arith.constant 0 : index
    %swap3A_22 = vector.load %arg6[%swap3A, %swap3A_21] : memref<4096x64xf32, #tpu.memory_space<vmem>>, vector<4096x64xf32>
    tpu.vector_store %arg6[%swap3A, %swap3A_21], %add3A_20 {strides = array<i32>} : memref<4096x64xf32, #tpu.memory_space<vmem>>, vector<4096x64xf32>,
    return
  }
  func.func @transform_0(%arg0: i32) -> (i32, i32) {
    %c0_i32 = arith.constant 0 : i32
    %c0_i32_0 = arith.constant 0 : i32
    return %arg0, %c0_i32 : i32, i32
  }
  func.func @transform_1(%arg0: i32) -> (i32, i32) {
    %c0_i32 = arith.constant 0 : i32
    %c0_i32_0 = arith.constant 0 : i32
    %c0_i32_1 = arith.constant 0 : i32
    return %c0_i32, %c0_i32_0 : i32, i32
  }
  func.func @transform_2(%arg0: i32) -> (i32, i32) {
    %c0_i32 = arith.constant 0 : i32
    %c0_i32_0 = arith.constant 0 : i32
    %c0_i32_1 = arith.constant 0 : i32
    return %c0_i32, %c0_i32_0 : i32, i32
  }
  func.func @transform_3(%arg0: i32) -> (i32, i32) {
    %c0_i32 = arith.constant 0 : i32
    %c0_i32_0 = arith.constant 0 : i32
    %c0_i32_1 = arith.constant 0 : i32
    return %c0_i32, %c0_i32_0 : i32, i32
  }
  func.func @transform_4(%arg0: i32) -> (i32, i32) {
    %c0_i32 = arith.constant 0 : i32
    %c0_i32_0 = arith.constant 0 : i32
    %c0_i32_1 = arith.constant 0 : i32
    return %c0_i32, %c0_i32_0 : i32, i32
  }
  func.func @transform_5(%arg0: i32) -> (i32, i32) {
    %c0_i32 = arith.constant 0 : i32
    %c0_i32_0 = arith.constant 0 : i32
    return %arg0, %c0_i32 : i32, i32
  }
}

</mosaic_0001>

<sc_bundles>
// kernel: kernel.4.cloned.1.call-start
scs
__scs_entry_jumppad:
0x0: {  	(pc) =	sbr.rel $0x88, $3  }
0x1: {  	(tag) =	ssettag $0x0;
	lr =	simm.s32 $0x1  }
0x2: {  	[smem:$0x3F97] =	sst lr;
	_ =	strace $0xD0000000  }
0x3: {  	_ = 	snop  }
0x4: {  	_ = 	snop  }
0x5: {  	_ = 	snop  }
0x6: {  	_ = 	snop  }
0x7: {  	_ = 	snop  }
__scs_overlays_trampoline_lowered:
0x8: {  	[smem:$0x3FA6] =	sst s0  }
0x9: {  	[smem:$0x3FA7] =	sst s1  }
0xa: {  	[smem:$0x3FA8] =	sst s2  }
0xb: {  	[smem:$0x3FA9] =	sst s3  }
0xc: {  	[smem:$0x3FAA] =	sst s4  }
0xd: {  	[smem:$0x3FAB] =	sst s5  }
0xe: {  	[smem:$0x3FAC] =	sst s6  }
0xf: {  	[smem:$0x3FAD] =	sst s7  }
0x10: {  	[smem:$0x3FAE] =	sst s8  }
0x11: {  	[smem:$0x3FAF] =	sst s9;
	s0 =	simm.s32 @!p0 $0x0  }
0x12: {  	s1 =	sld [smem:$0x3F95];
	s0 =	simm.s32 @p0 $0x1  }
0x13: {  	[smem:$0x3FB0] =	sst s0;
	s0 =	simm.s32 @!p1 $0x0  }
0x14: {  	s2 =	sld [smem:$0x3F94];
	s0 =	simm.s32 @p1 $0x1  }
0x15: {  	[smem:$0x3FB1] =	sst s0;
	s0 =	simm.s32 @!p2 $0x0  }
0x16: {  	s3 =	sld [smem:$0x3FDB];
	s0 =	simm.s32 @p2 $0x1  }
0x17: {  	s4 =	simm.s32 $0x1BF5;
	[smem:$0x3FB3] =	sst s0  }
0x18: {  	s0 =	sld [smem:$0x3F96];
	_ =	swait.ge [sflag:s4], $0x0  }
0x19: {  	s7 =	sld [smem:$0x3F97]  }
0x1a: {  	s8 =	sadd.s32 $0xFFFFE003, lr  }
0x1b: {  	s9 =	sadd.s32 $0xFFFFFEF7, lr;
	s5 =	simm.s32 $0xFFFFFFFF;
	p2 =	slt.u32 s8, $0xFFFFF086  }
0x1c: {  	p1 =	slt.u32 s9, $0xF7A;
	s5 =	simm.s32 @!p2 $0x0  }
0x1d: {  	s5 =	simm.s32 @p1 $0x1;
	p0 =	seq.s32 s7, s2  }
0x1e: {  	s7 =	smul.u32 @!p0 $0xF7A, s2;
	p2 =	seq.s32 @!p0 s5, $0x0  }
0x1f: {  	s9 =	smul.u32 $0xF7A, s1;
	s8 =	simm.s32 @!p0 $0x1BF5;
	p2 =	por !p2, p0  }
0x20: {  	[sflag:s8] =	ssyncset.s32 @!p0 $0xFFFFF086;
	s6 =	sadd.s32 @!p0 s3, s7;
	s7 =	simm.s32 @!p0 $0x108  }
0x21: {  	s3 =	sadd.s32 s3, s9;
	s6 =	sadd.s32 @!p0 $0x88, s6;
	s7 =	simm.s32 @p2 $0x1082  }
0x22: {  	[simem:s7], [sflag:s8] =	dma.local @!p0 [hbm:s6], $0xF7A  }
0x23: {  	s9 =	sor.u32 $0xD0000000, s2;
	s6 =	simm.s32 $0x108;
	_ =	swait.ge @!p0 [sflag:s8], $0x0  }
0x24: {  	s3 =	sadd.s32 $0x88, s3;
	s6 =	simm.s32 @!p1 $0x1082;
	[sflag:s4] =	ssyncset.s32 $0xFFFFF086  }
0x25: {  	[simem:s6], [sflag:s4] =	dma.local [hbm:s3], $0xF7A  }
0x26: {  	[smem:$0x3F97] =	sst s1;
	(tag) =	ssettag s2;
	_ =	strace s9  }
0x27: {  	s1 =	sld [smem:$0x3FA7]  }
0x28: {  	s2 =	sld [smem:$0x3FA8]  }
0x29: {  	s4 =	sld [smem:$0x3FAA]  }
0x2a: {  	p0 =	seq.s32 s5, $0x0;
	s5 =	sld [smem:$0x3FAB]  }
0x2b: {  	s6 =	sld [smem:$0x3FAC]  }
0x2c: {  	s7 =	sld [smem:$0x3FAD]  }
0x2d: {  	s3 =	simm.s32 $0x108;
	s8 =	sld [smem:$0x3FAE]  }
0x2e: {  	s3 =	simm.s32 @!p0 $0x1082;
	s9 =	sld [smem:$0x3FAF]  }
0x2f: {  	lr =	sadd.s32 s0, s3;
	s0 =	sld [smem:$0x3FA6]  }
0x30: {  	s3 =	sld [smem:$0x3FA9]  }
0x31: {  	[smem:$0x3FB2] =	sst s10  }
0x32: {  	s10 =	sld [smem:$0x3FB0];
	_ =	sdelay $0x3  }
0x33: {  	p0 =	seq.s32 s10, $0x1;
	s10 =	sld [smem:$0x3FB2];
	_ =	sdelay $0x3  }
0x34: {  	[smem:$0x3FB2] =	sst s10  }
0x35: {  	s10 =	sld [smem:$0x3FB1];
	_ =	sdelay $0x3  }
0x36: {  	p1 =	seq.s32 s10, $0x1;
	s10 =	sld [smem:$0x3FB2];
	_ =	sdelay $0x3  }
0x37: {  	[smem:$0x3FB2] =	sst s10  }
0x38: {  	s10 =	sld [smem:$0x3FB3]  }
0x39: {  	_ = 	snop;
	(pc) =	sbr.ind lr, $3  }
0x3a: {  	_ = 	snop  }
0x3b: {  	_ = 	snop  }
0x3c: {  	p2 =	seq.s32 s10, $0x1;
	s10 =	sld [smem:$0x3FB2]  }
0x3d: {  	_ =	shalt  }
0x3e: {  	_ =	shalt  }
0x3f: {  	_ =	shalt  }
0x40: {  	_ =	shalt  }
0x41: {  	_ =	shalt  }
0x42: {  	_ =	shalt  }
0x43: {  	_ =	shalt  }
0x44: {  	_ =	shalt  }
0x45: {  	_ =	shalt  }
0x46: {  	_ =	shalt  }
0x47: {  	_ =	shalt  }
0x48: {  	_ =	shalt  }
0x49: {  	_ =	shalt  }
0x4a: {  	_ =	shalt  }
0x4b: {  	_ =	shalt  }
0x4c: {  	_ =	shalt  }
0x4d: {  	_ =	shalt  }
0x4e: {  	_ =	shalt  }
0x4f: {  	_ =	shalt  }
0x50: {  	_ =	shalt  }
0x51: {  	_ =	shalt  }
0x52: {  	_ =	shalt  }
0x53: {  	_ =	shalt  }
0x54: {  	_ =	shalt  }
0x55: {  	_ =	shalt  }
0x56: {  	_ =	shalt  }
0x57: {  	_ =	shalt  }
0x58: {  	_ =	shalt  }
0x59: {  	_ =	shalt  }
0x5a: {  	_ =	shalt  }
0x5b: {  	_ =	shalt  }
0x5c: {  	_ =	shalt  }
0x5d: {  	_ =	shalt  }
0x5e: {  	_ =	shalt  }
0x5f: {  	_ =	shalt  }
0x60: {  	_ =	shalt  }
0x61: {  	_ =	shalt  }
0x62: {  	_ =	shalt  }
0x63: {  	_ =	shalt  }
0x64: {  	_ =	shalt  }
0x65: {  	_ =	shalt  }
0x66: {  	_ =	shalt  }
0x67: {  	_ =	shalt  }
0x68: {  	_ =	shalt  }
0x69: {  	_ =	shalt  }
0x6a: {  	_ =	shalt  }
0x6b: {  	_ =	shalt  }
0x6c: {  	_ =	shalt  }
0x6d: {  	_ =	shalt  }
0x6e: {  	_ =	shalt  }
0x6f: {  	_ =	shalt  }
0x70: {  	_ =	shalt  }
0x71: {  	_ =	shalt  }
0x72: {  	_ =	shalt  }
0x73: {  	_ =	shalt  }
0x74: {  	_ =	shalt  }
0x75: {  	_ =	shalt  }
0x76: {  	_ =	shalt  }
0x77: {  	_ =	shalt  }
0x78: {  	_ =	shalt  }
0x79: {  	_ =	shalt  }
0x7a: {  	_ =	shalt  }
0x7b: {  	_ =	shalt  }
0x7c: {  	_ =	shalt  }
0x7d: {  	_ =	shalt  }
0x7e: {  	_ =	shalt  }
0x7f: {  	_ =	shalt  }
0x80: {  	_ =	shalt  }
0x81: {  	_ =	shalt  }
0x82: {  	_ =	shalt  }
0x83: {  	_ =	shalt  }
0x84: {  	_ =	shalt  }
0x85: {  	_ =	shalt  }
0x86: {  	_ =	shalt  }
0x87: {  	_ =	shalt  }
.Lfunc_end0:
.L_simem_size_0:
called_computation.1_lowered:
.L_overlay_start_0:
0x88: {  	s2 =	sld [smem:$0x3FD9]  }
0x89: {  	s3 =	sld [smem:$0x3FFE];
	_ =	sdelay $0x1  }
0x8a: {  	s1 =	srdreg.scid  }
0x8b: {  	s0 =	sand.u32 $0x1, s1  }
0x8c: {  	s16 =	sshll.u32 s0, $0xA;
	s2 =	sadd.s32 s3, s2  }
0x8d: {  	s2 =	sadd.s32 s2, s16  }
0x8e: {  	[smem:$0x3FBE] =	sst s2  }
0x8f: {  	_ = 	snop  }
0x90: {  	(tm) =	ssettm $0x1  }
0x91: {  	s17 =	sld [smem:$0x3FFB];
	_ =	sdelay $0x3  }
0x92: {  	_ =	strace s17  }
0x93: {  	s2 =	sld [smem:$0x3FFC];
	_ =	sdelay $0x3  }
0x94: {  	_ =	strace s2  }
0x95: {  	s2 =	sld [smem:$0x3FFD];
	_ =	sdelay $0x3  }
0x96: {  	_ =	strace s2  }
0x97: {  	_ =	strace $0x8FFFFFFF  }
0x98: {  	s18 =	sld [smem:$0x3FDB];
	_ =	sdelay $0x1  }
0x99: {  	s19 =	simm.s32 $_scs_section_size  }
0x9a: {  	s4 =	simm.s32 $_size__tile_overlayer_lowered;
	s5 =	simm.s32 $_tile_overlayer_lowered  }
0x9b: {  	s22 =	simm.s32 $0x1BFF;
	s21 =	sshll.u32 s5, $0x1;
	s2 =	sadd.s32 s19, s18  }
0x9c: {  	s6 =	simm.s32 $0x0;
	s20 =	sshll.u32 s4, $0x1;
	s4 =	sadd.s32 s21, s2  }
0x9d: {  	[timem:s6], [sflag:s22] =	dma.local [hbm:s4], s20  }
0x9e: {  	_ =	swait.ge [sflag:s22], s20  }
0x9f: {  	s3 =	ssub.s32 $0x0, s20;
	[sflag:s22] =	ssyncset.done $0x0  }
0xa0: {  	[sflag:s22] =	ssyncadd.s32 s3;
	_ =	sdelay $0x1  }
0xa1: {  	s23 =	simm.s32 $0x1B8B  }
0xa2: {  	_ =	swait.ge [sflag:s23], $0x1  }
0xa3: {  	[sflag:s23] =	ssyncset.done $0x0  }
0xa4: {  	s25 =	simm.s32 $0x1B8E;
	s24 =	sld [smem:$0x3FFE];
	[sflag:s23] =	ssyncadd.s32 $0xFFFFFFFF  }
0xa5: {  	s26 =	simm.s32 $execute0_lowered;
	[smem:$0x3FD2] =	sst s25  }
0xa6: {  	s4 =	sshll.u32 s26, $0x1;
	_ =	strace $0x80000046;
	[dreg:$0x1] =	wrdreg $0xFFFFFFFF  }
0xa7: {  	s28 =	simm.s32 $_size_execute0_lowered;
	s2 =	sadd.s32 s2, s4;
	[dreg:$0x0] =	wrdreg $0x0  }
0xa8: {  	s4 =	sshll.u32 s28, $0x1;
	[dreg:$0x2] =	wrdreg s2  }
0xa9: {  	[dreg:$0x3] =	wrdreg s4  }
0xaa: {  	[dreg:$0x4] =	wrdreg $0xC0  }
0xab: {  	_ =	task [dreg:s6], $0x5FFFF  }
0xac: {  	[dreg:$0x1] =	wrdreg $0xFFFFFFFF  }
0xad: {  	[dreg:$0x0] =	wrdreg $0x60  }
0xae: {  	[dreg:$0x2] =	wrdreg s24  }
0xaf: {  	[dreg:$0x3] =	wrdreg $0x9  }
0xb0: {  	_ =	task.clear_ibuf [dreg:s6], $0x4FFFF;
	_ =	strace $0x90000046  }
0xb1: {  	s29 =	simm.s32 $0x9;
	_ =	strace $0x80000048  }
0xb2: {  	_ =	swait.ge [sflag:s29], $0x1  }
0xb3: {  	[sflag:s29] =	ssyncadd.s32 $0xFFFFFFFF  }
0xb4: {  	_ =	strace $0x90000048  }
0xb5: {  	_ =	sfence  }
0xb6: {  	s30 =	sld [smem:$0x0];
	_ =	sdelay $0x2  }
0xb7: {  	s31 =	sshll.u32 s1, $0xD;
	s1 =	sshrl.u32 s1, $0x2  }
0xb8: {  	s3 =	sand.u32 $0x4000, s31;
	s1 =	sadd.s32 s1, s30  }
0xb9: {  	s0 =	sor.u32 s3, s0;
	s1 =	sshll.u32 s1, $0x11  }
0xba: {  	s0 =	sor.u32 s1, s0  }
0xbb: {  	s0 =	sadd.s32 $0x8F2B, s0  }
0xbc: {  	[sflag:s0] =	ssyncadd.remote.s32 $0x1  }
0xbd: {  	_ =	sfence.sel $0xFFFF  }
0xbe: {  	[dreg:$0x0] =	wrdreg $0xFFFFFFFF;
	(pc) =	sbr.abs _section_cstart, $3  }
0xbf: {  	[dreg:$0x1] =	wrdreg $0xFFFFFFFF  }
0xc0: {  	_ =	task.clear_ibuf [dreg:s6], $0x2FFFF;
	_ =	strace $0x9FFFFFFF  }
0xc1: {  	(tm) =	ssettm $0x7FFFFFFF  }
tec
execute0_lowered:
.L_overlay_start_1:
0x0: {  	(tag) =	ssettag $0x1  }
0x1: {  	s1 =	srdreg.scid  }
0x2: {  	s0 =	stileid.u32;
	s6 =	rddreg [dreg:$0x0];
	s2 =	simm.s32 $0x0  }
0x3: {  	s13 =	simm.s32 $0x1;
	s14 =	simm.s32 $0x3;
	s15 =	simm.s32 $0x2  }
0x4: {  	s16 =	simm.s32 $0x4;
	s17 =	simm.s32 $0x0;
	s4 =	sand.u32 $0x1, s1  }
0x5: {  	s26 =	sshll.u32 s0, $0x1;
	[smem:$0x7FF] =	sst s2;
	s11 =	smul.u32 $0xC8000, s0  }
0x6: {  	s10 =	sadd.s32 $0x1A1200, s6;
	s5 =	sor.u32 s4, s26;
	s30 =	smul.u32 $0x64000, s4  }
0x7: {  	s1 =	rddreg [dreg:$0x1];
	_ =	strace $0x80000047;
	s3 =	smul.u32 $0x6400, s5  }
0x8: {  	s8 =	ssub.s32 $0x2, s4;
	s9 =	smul.u32 $0x320000, s5;
	s11 =	sadd.s32 s11, s10  }
0x9: {  	s28 =	sshrl.u32 s8, $0x1;
	s12 =	smul.u32 $0x64000, s5;
	s31 =	sadd.s32 s30, s11  }
0xa: {  	s11 =	simm.s32 $0x6400;
	s3 =	sshrl.u32 s3, $0x3;
	s29 =	sshrl.u32 s9, $0x3  }
0xb: {  	s9 =	simm.s32 $0x5;
	s7 =	sadd.s32 s3, s6;
	s3 =	sadd.s32 $0x1A800, s6  }
0xc: {  	s6 =	ssub.s32 s8, s28;
	s8 =	sadd.s32 s10, s29;
	s4 =	sadd.s32 $0x1800, s7  }
0xd: {  	s5 =	sadd.s32 $0x62700, s8;
	s6 =	smax.u32 s6, $0x1;
	s7 =	sadd.s32 s10, s12  }
0xe: {  	s8 =	sadd.s32 $0x3200, s31;
	s10 =	simm.s32 $0x190;
	s12 =	simm.s32 $0x12C00  }
.LBB2_1:
0xf: {  	[tilespmem:s2], [sflag:$0x5] =	stream.linear.gather [hbm4b:s4+s2], $0x6400, $0x38;
	[tilespmem:$0x1F400] =	vst v63  }
0x10: {  	_ =	swait.ge [sflag:s9], $0x6400  }
0x11: {  	[sflag:s9] =	ssyncset.done $0x0  }
0x12: {  	[sflag:s9] =	ssyncadd.s32 $0xFFFF9C00  }
0x13: {  	[tilespmem:s11], [sflag:$0x1] =	stream.indirect.gather [hbm4b:s3+s10], $0x80, s2, s10, $0xb8;
	[tilespmem:$0x1F400] =	vst v63  }
0x14: {  	_ = 	snop  }
0x15: {  	[tilespmem:s12], [sflag:$0x2] =	stream.indirect.gather [hbm4b:s3+s10], $0x80, s10, s10, $0xb8;
	[tilespmem:$0x1F400] =	vst v63  }
0x16: {  	_ =	swait.ge [sflag:s13], $0xC800  }
0x17: {  	[sflag:s13] =	ssyncset.done $0x0  }
0x18: {  	[sflag:s13] =	ssyncadd.s32 $0xFFFF3800  }
0x19: {  	[hbm4b:s7+s2] =	stream.linear.scatter [tilespmem:s11], [sflag:$0x3], $0xC800, $0x38;
	[tilespmem:$0x1F400] =	vst v63  }
0x1a: {  	_ =	swait.ge [sflag:s14], $0xC800  }
0x1b: {  	[sflag:s14] =	ssyncset.done $0x0  }
0x1c: {  	s18 =	simm.s32 $0x320;
	[sflag:s14] =	ssyncadd.s32 $0xFFFF3800  }
0x1d: {  	[tilespmem:s11], [sflag:$0x1] =	stream.indirect.gather [hbm4b:s3+s10], $0x80, s18, s10, $0xb8;
	[tilespmem:$0x1F400] =	vst v63  }
0x1e: {  	_ =	swait.ge [sflag:s15], $0xC800  }
0x1f: {  	[sflag:s15] =	ssyncset.done $0x0  }
0x20: {  	s30 =	sadd.s32 $0xFFFFE700, s8;
	[sflag:s15] =	ssyncadd.s32 $0xFFFF3800  }
0x21: {  	[hbm4b:s30+s2] =	stream.linear.scatter [tilespmem:s12], [sflag:$0x4], $0xC800, $0x38;
	[tilespmem:$0x1F400] =	vst v63  }
0x22: {  	_ =	swait.ge [sflag:s16], $0xC800  }
0x23: {  	[sflag:s16] =	ssyncset.done $0x0  }
0x24: {  	s31 =	simm.s32 $0x4B0;
	[sflag:s16] =	ssyncadd.s32 $0xFFFF3800  }
0x25: {  	[tilespmem:s12], [sflag:$0x2] =	stream.indirect.gather [hbm4b:s3+s10], $0x80, s31, s10, $0xb8;
	[tilespmem:$0x1F400] =	vst v63  }
0x26: {  	_ =	swait.ge [sflag:s13], $0xC800  }
0x27: {  	s19 =	sadd.s32 $0x3200, s8;
	[sflag:s13] =	ssyncset.done $0x0  }
0x28: {  	s20 =	smov.u32 s8;
	s18 =	simm.s32 $0xC80;
	[sflag:s13] =	ssyncadd.s32 $0xFFFF3800  }
.LBB2_2:
0x29: {  	[hbm4b:s20+s2] =	stream.linear.scatter [tilespmem:s11], [sflag:$0x3], $0xC800, $0x38;
	[tilespmem:$0x1F400] =	vst v63  }
0x2a: {  	s21 =	smov.u32 s18;
	s20 =	smov.u32 s19  }
0x2b: {  	p0 =	sne.s32 s18, $0x17700;
	s18 =	sadd.s32 $0xC80, s18;
	_ =	swait.ge [sflag:s14], $0xC800  }
0x2c: {  	s21 =	sshra.s32 s21, $0x2;
	[sflag:s14] =	ssyncset.done $0x0  }
0x2d: {  	s22 =	sadd.s32 $0x320, s21;
	[sflag:s14] =	ssyncadd.s32 $0xFFFF3800  }
0x2e: {  	[tilespmem:s11], [sflag:$0x1] =	stream.indirect.gather [hbm4b:s3+s10], $0x80, s22, s10, $0xb8;
	[tilespmem:$0x1F400] =	vst v63  }
0x2f: {  	_ =	swait.ge [sflag:s15], $0xC800  }
0x30: {  	[sflag:s15] =	ssyncset.done $0x0  }
0x31: {  	s22 =	sadd.s32 $0xFFFFE700, s19;
	[sflag:s15] =	ssyncadd.s32 $0xFFFF3800  }
0x32: {  	[hbm4b:s22+s2] =	stream.linear.scatter [tilespmem:s12], [sflag:$0x4], $0xC800, $0x38;
	[tilespmem:$0x1F400] =	vst v63  }
0x33: {  	_ =	swait.ge [sflag:s16], $0xC800  }
0x34: {  	[sflag:s16] =	ssyncset.done $0x0  }
.Ltmp0:
0x35: {  	s21 =	sadd.s32 $0x4B0, s21;
	[sflag:s16] =	ssyncadd.s32 $0xFFFF3800;
	(pc) =	sbr.rel @p0 .LBB2_2-.Ltmp0, $4  }
0x36: {  	[tilespmem:s12], [sflag:$0x2] =	stream.indirect.gather [hbm4b:s3+s10], $0x80, s21, s10, $0xb8;
	[tilespmem:$0x1F400] =	vst v63  }
0x37: {  	_ =	swait.ge [sflag:s13], $0xC800  }
0x38: {  	[sflag:s13] =	ssyncset.done $0x0  }
0x39: {  	s19 =	sadd.s32 $0x3200, s19;
	[sflag:s13] =	ssyncadd.s32 $0xFFFF3800  }
0x3a: {  	[hbm4b:s20+s2] =	stream.linear.scatter [tilespmem:s11], [sflag:$0x3], $0xC800, $0x38;
	[tilespmem:$0x1F400] =	vst v63  }
0x3b: {  	_ =	swait.ge [sflag:s15], $0xC800  }
0x3c: {  	[sflag:s15] =	ssyncset.done $0x0  }
0x3d: {  	s17 =	sadd.s32 $0x1, s17;
	[sflag:s15] =	ssyncadd.s32 $0xFFFF3800  }
0x3e: {  	[hbm4b:s5+s2] =	stream.linear.scatter [tilespmem:s12], [sflag:$0x4], $0xC800, $0x38;
	[tilespmem:$0x1F400] =	vst v63  }
0x3f: {  	p0 =	sne.s32 s17, s6;
	_ =	swait.ge [sflag:s14], $0xC800  }
.Ltmp1:
0x40: {  	[sflag:s14] =	ssyncset.done $0x0;
	(pc) =	sbr.rel @p0 .LBB2_1-.Ltmp1, $4  }
0x41: {  	[sflag:s14] =	ssyncadd.s32 $0xFFFF3800  }
0x42: {  	_ =	swait.ge [sflag:s16], $0xC800  }
0x43: {  	[sflag:s16] =	ssyncset.done $0x0  }
0x44: {  	[sflag:s16] =	ssyncadd.s32 $0xFFFF3800  }
0x45: {  	_ =	sfence.sel $0x180000  }
0x46: {  	[bflag:$0x0] =	sbarrier.arrive $0xFFFF  }
0x47: {  	p0 =	sne.s32 s0, $0x0;
	_ =	strace $0x90000047  }
0x48: {  	s0 =	sadd.s32 @!p0 $0x100000, s1;
	[bflag:$0x2] =	sbarrier.arrive $0xFFFF  }
0x49: {  	[sflag:s0] =	ssyncadd.tile.s32 @!p0 $0x1;
	_ =	shalt  }
.Lfunc_end2:
_tile_overlayer_lowered:
.L_overlay_start_2:
0x4a: {  	(tag) =	ssettag $0x2  }
0x4b: {  	s0 =	rddreg [dreg:$0x0];
	s2 =	stileid.u32  }
0x4c: {  	s1 =	rddreg [dreg:$0x1];
	p0 =	sne.s32 s2, $0x0  }
0x4d: {  	s3 =	rddreg [dreg:$0x2];
	[bflag:$0x3] =	sbarrier.arrive $0xFFFF;
	s2 =	simm.s32 @!p0 $0x1C05  }
0x4e: {  	[timem:s3], [sflag:s2] =	dma.local @!p0 [hbm:s0], s1  }
0x4f: {  	s0 =	simm.s32 @!p0 $0x5  }
0x50: {  	_ =	swait.ge @!p0 [sflag:s0], s1  }
0x51: {  	s1 =	ssub.s32 @!p0 $0x0, s1;
	[sflag:s0] =	ssyncset.done @!p0 $0x0  }
0x52: {  	[sflag:s0] =	ssyncadd.s32 @!p0 s1  }
0x53: {  	[bflag:$0x3] =	sbarrier.arrive $0xFFFF  }
0x54: {  	_ =	shalt  }

// kernel: sparse-core-data-format-call.cloned.1.call-start
scs
called_computation_lowered:
.L_overlay_start_0:
0x0: {  	s2 =	sld [smem:$0x3FD9]  }
0x1: {  	s3 =	sld [smem:$0x3FFE];
	_ =	sdelay $0x1  }
0x2: {  	s1 =	srdreg.scid  }
0x3: {  	s0 =	sand.u32 $0x1, s1  }
0x4: {  	s18 =	sshll.u32 s0, $0xA;
	s2 =	sadd.s32 s3, s2  }
0x5: {  	s2 =	sadd.s32 s2, s18  }
0x6: {  	[smem:$0x3FBE] =	sst s2  }
0x7: {  	_ = 	snop  }
0x8: {  	s2 =	sld [smem:$0x3FD0];
	(tm) =	ssettm $0x1  }
0x9: {  	s19 =	sld [smem:$0x3FFB];
	_ =	sdelay $0x3  }
0xa: {  	_ =	strace s19  }
0xb: {  	s3 =	sld [smem:$0x3FFC];
	_ =	sdelay $0x3  }
0xc: {  	_ =	strace s3  }
0xd: {  	s3 =	sld [smem:$0x3FFD];
	_ =	sdelay $0x3  }
0xe: {  	_ =	strace s3  }
0xf: {  	_ =	strace $0x8FFFFFFF  }
0x10: {  	s20 =	sld [smem:$0x3FDB];
	_ =	sdelay $0x1  }
0x11: {  	s4 =	simm.s32 $_scs_section_size  }
0x12: {  	s5 =	simm.s32 $_size__tile_overlayer_lowered;
	s6 =	simm.s32 $_tile_overlayer_lowered  }
0x13: {  	s23 =	simm.s32 $0x1BFF;
	s22 =	sshll.u32 s6, $0x1;
	s3 =	sadd.s32 s4, s20  }
0x14: {  	s7 =	simm.s32 $0x0;
	s21 =	sshll.u32 s5, $0x1;
	s5 =	sadd.s32 s22, s3  }
0x15: {  	[timem:s7], [sflag:s23] =	dma.local [hbm:s5], s21  }
0x16: {  	_ =	swait.ge [sflag:s23], s21  }
0x17: {  	s4 =	ssub.s32 $0x0, s21;
	[sflag:s23] =	ssyncset.done $0x0  }
0x18: {  	[sflag:s23] =	ssyncadd.s32 s4;
	_ =	sdelay $0x1  }
0x19: {  	s24 =	simm.s32 $0x1B8B  }
0x1a: {  	_ =	swait.ge [sflag:s24], $0x1  }
0x1b: {  	[sflag:s24] =	ssyncset.done $0x0  }
0x1c: {  	s26 =	simm.s32 $0x1B8E;
	s25 =	sld [smem:$0x3FFE];
	[sflag:s24] =	ssyncadd.s32 $0xFFFFFFFF  }
0x1d: {  	s27 =	simm.s32 $execute0_lowered;
	[smem:$0x3FD2] =	sst s26  }
0x1e: {  	s5 =	sshll.u32 s27, $0x1;
	_ =	strace $0x80000049;
	[dreg:$0x1] =	wrdreg $0xFFFFFFFF  }
0x1f: {  	s28 =	simm.s32 $_size_execute0_lowered;
	s3 =	sadd.s32 s3, s5;
	[dreg:$0x0] =	wrdreg $0x0  }
0x20: {  	s5 =	sshll.u32 s28, $0x1;
	[dreg:$0x2] =	wrdreg s3  }
0x21: {  	[dreg:$0x3] =	wrdreg s5  }
0x22: {  	[dreg:$0x4] =	wrdreg $0xC0  }
0x23: {  	_ =	task [dreg:s7], $0x5FFFF  }
0x24: {  	[dreg:$0x1] =	wrdreg $0xFFFFFFFF  }
0x25: {  	[dreg:$0x0] =	wrdreg $0x60  }
0x26: {  	[dreg:$0x2] =	wrdreg s25  }
0x27: {  	[dreg:$0x3] =	wrdreg s2  }
0x28: {  	[dreg:$0x4] =	wrdreg $0x9  }
0x29: {  	_ =	task.clear_ibuf [dreg:s7], $0x5FFFF;
	_ =	strace $0x90000049  }
0x2a: {  	s29 =	simm.s32 $0x9;
	_ =	strace $0x8000004B  }
0x2b: {  	_ =	swait.ge [sflag:s29], $0x1  }
0x2c: {  	[sflag:s29] =	ssyncadd.s32 $0xFFFFFFFF  }
0x2d: {  	_ =	strace $0x9000004B  }
0x2e: {  	_ =	sfence  }
0x2f: {  	s30 =	sld [smem:$0x0];
	_ =	sdelay $0x2  }
0x30: {  	s31 =	sshll.u32 s1, $0xD;
	s1 =	sshrl.u32 s1, $0x2  }
0x31: {  	s3 =	sand.u32 $0x4000, s31;
	s1 =	sadd.s32 s1, s30  }
0x32: {  	s0 =	sor.u32 s3, s0;
	s1 =	sshll.u32 s1, $0x11  }
0x33: {  	s0 =	sor.u32 s1, s0  }
0x34: {  	s0 =	sadd.s32 $0x8F2B, s0  }
0x35: {  	[sflag:s0] =	ssyncadd.remote.s32 $0x1  }
0x36: {  	_ =	sfence.sel $0xFFFF  }
0x37: {  	[dreg:$0x0] =	wrdreg $0xFFFFFFFF;
	(pc) =	sbr.abs _section_cstart, $3  }
0x38: {  	[dreg:$0x1] =	wrdreg $0xFFFFFFFF  }
0x39: {  	_ =	task.clear_ibuf [dreg:s7], $0x2FFFF;
	_ =	strace $0x9FFFFFFF  }
0x3a: {  	(tm) =	ssettm $0x7FFFFFFF  }
0x3b: {  	_ =	shalt  }
tec
execute0_lowered:
.L_overlay_start_1:
0x0: {  	(tag) =	ssettag $0x1  }
0x1: {  	s0 =	srdreg.scid  }
0x2: {  	s1 =	sshll.u32 s0, $0x4  }
0x3: {  	s0 =	stileid.u32;
	s1 =	sand.u32 $0x10, s1  }
0x4: {  	s1 =	sor.u32 s0, s1  }
0x5: {  	s6 =	rddreg [dreg:$0x0];
	s4 =	simm.s32 $0x1;
	s2 =	sshll.u32 s1, $0x7  }
0x6: {  	s7 =	simm.s32 $0x2;
	s12 =	simm.s32 $0x0;
	s1 =	ssub.s32 $0x1000, s2  }
0x7: {  	s8 =	simm.s32 $0x8000;
	s13 =	simm.s32 $0x0;
	s3 =	sand.u32 $0xF80, s1  }
0x8: {  	s9 =	simm.s32 $0x0;
	s5 =	sshrl.u32 s1, $0xC;
	p0 =	sne.s32 s3, $0x0  }
.Ltmp0:
0x9: {  	s1 =	rddreg [dreg:$0x2];
	s4 =	simm.s32 @!p0 $0x0;
	(pc) =	sbr.rel .LBB1_1-.Ltmp0, $4  }
0xa: {  	s11 =	simm.s32 $0x0;
	s3 =	rddreg [dreg:$0x1];
	s5 =	sadd.s32 s4, s5  }
0xb: {  	_ =	strace $0x8000004A;
	s4 =	simm.s32 $0x1;
	s5 =	smul.u32 $0xC8, s5  }
0xc: {  	s6 =	sadd.s32 $0xE21200, s6;
	s10 =	smov.u32 s2;
	[sflag:s4] =	ssyncpa.u1 $0x0  }
0xd: {  	p0 =	por $0x0, $0x0;
	[sflag:s7] =	ssyncpa.u1 $0x0;
	s7 =	sor.u32 $0x1, s5  }
.LBB1_4:
0xe: {  	s16 =	sshll.u32 s13, $0x3;
	s17 =	sand.u32 $0x78, s13  }
0xf: {  	s30 =	sand.u32 $0x7E00, s13;
	s12 =	sshll.u32 s12, $0xF;
	s16 =	sand.u32 $0xC00, s16  }
0x10: {  	[tilespmem:s15+$0x810 ss:$0x81] =	vst.msk $0xffff, v2;
	s31 =	sand.u32 $0x7, s13;
	s16 =	sor.u32 s17, s16;
	s17 =	sadd.s32 s3, s30  }
0x11: {  	[tilespmem:s15+$0x1020 ss:$0x81] =	vst.msk $0xffff, v0;
	s13 =	sshll.u32 s31, $0x12;
	s12 =	sadd.s32 s12, s17;
	s16 =	sshrl.u32 s16, $0x3  }
0x12: {  	[tilespmem:s15+$0x0 ss:$0x81] =	vst.msk $0xffff, v1;
	s13 =	sor.u32 $0x400, s13;
	s12 =	sadd.s32 s16, s12  }
0x13: {  	[hbm4b:s12+s13] =	stream.strided.scatter [tilespmem:s14], [sflag:$0x2], $0x2000, s8, s13, $0x20;
	[tilespmem:$0x8080] =	vst v63  }
.LBB1_5:
0x14: {  	s14 =	sadd.s32 $0x1, s9  }
0x15: {  	s12 =	sadd.s32 $0x1000, s10;
	s16 =	smov.u32 s10;
	p2 =	sgt.s32 s14, $0xC7  }
0x16: {  	s16 =	smov.u32 @p2 s12  }
0x17: {  	s14 =	simm.s32 @p2 $0x0;
	p2 =	sgt.s32 s16, $0xFFF  }
0x18: {  	s16 =	smov.u32 @p2 s2;
	p2 =	sne.s32 s11, s7  }
.Ltmp1:
0x19: {  	p1 =	slt.u32 s11, $0x2;
	(pc) =	sbr.rel @!p2 .LBB1_6-.Ltmp1, $4  }
0x1a: {  	s15 =	simm.s32 @!p1 $0x2  }
0x1b: {  	s13 =	smov.u32 s10;
	p0 =	por !p0, !p0;
	_ =	swait.ge @!p1 [sflag:s15], $0x2000  }
0x1c: {  	s12 =	smov.u32 s9;
	[sflag:s15] =	ssyncset.done @!p1 $0x0;
	s9 =	smov.u32 s14  }
0x1d: {  	s11 =	sadd.s32 $0x1, s11;
	[sflag:s15] =	ssyncadd.s32 @!p1 $0xFFFFE000;
	s10 =	smov.u32 s16  }
.LBB1_1:
0x1e: {  	p1 =	sge.u32 s11, s5  }
0x1f: {  	s14 =	sand.u32 @!p1 $0x1FFFFFF, s9  }
0x20: {  	s15 =	smulhi.u32 @!p1 $0x147AE15, s14;
	_ =	sdelay $0x1  }
0x21: {  	s15 =	smul.u32 @!p1 $0xC8, s15  }
0x22: {  	s16 =	sxor.u32 @!p1 $0xFFFFFFFF, s11;
	s17 =	smul.u32 @!p1 $0xC80, s10  }
0x23: {  	s31 =	sadd.s32 $0xFFFFFFFF, s11;
	s16 =	sshll.u32 @!p1 s16, $0xD;
	s14 =	ssub.s32 @!p1 s14, s15  }
0x24: {  	s15 =	sand.u32 @!p1 $0x2000, s16;
	s16 =	sadd.s32 @!p1 s6, s17;
	s14 =	sshll.u32 @!p1 s14, $0x4  }
0x25: {  	s17 =	simm.s32 @!p1 $0x6400;
	s14 =	sadd.s32 @!p1 s14, s16;
	s16 =	simm.s32 @!p1 $0x40  }
0x26: {  	[tilespmem:s15], [sflag:$0x1] =	stream.strided.gather @!p1 [hbm4b:s14+s16], $0x2000, s17, s16, $0x38;
	[tilespmem:$0x8080] =	vst v63  }
0x27: {  	p1 =	sge.u32 s31, s5  }
.Ltmp2:
0x28: {  	_ = 	snop;
	(pc) =	sbr.rel @p1 .LBB1_5-.Ltmp2, $1  }
0x29: {  	_ =	sdelay $0x3  }
0x2a: {  	s14 =	simm.s32 $0x1  }
0x2b: {  	_ =	swait.ge [sflag:s4], $0x2000;
	s14 =	simm.s32 @!p0 $0x0  }
0x2c: {  	[sflag:s4] =	ssyncset.done $0x0;
	s15 =	sshll.u32 s14, $0xD  }
0x2d: {  	[sflag:s4] =	ssyncadd.s32 $0xFFFFE000;
	s18 =	sor.u32 $0x20, s15  }
0x2e: {  	s14 =	smul.u32 $0x8100, s14;
	v3 =	vld [tilespmem:s18+$0x10]  }
0x2f: {  	s30 =	sand.u32 $0x1, s11;
	v2 =	vld [tilespmem:s18+$0xFFFFFFF0]  }
0x30: {  	s15 =	smul.u32 $0x8100, s30;
	s14 =	sshrl.u32 s14, $0x2;
	v0 =	vld [tilespmem:s18+$0x0]  }
0x31: {  	v1 =	vld [tilespmem:s18+$0xFFFFFFE0];
	s16 =	sor.u32 $0x4000, s14  }
0x32: {  	s31 =	sshrl.u32 s15, $0x2;
	s15 =	sadd.s32 $0x0, s16  }
0x33: {  	s17 =	simm.s32 $0x4;
	s18 =	sadd.s32 $0x40, s18;
	s14 =	sor.u32 $0x4000, s31;
	[tilespmem:s15+$0x1830 ss:$0x81] =	vst.msk $0xffff, v3  }
.LBB1_3:
0x34: {  	v3 =	vld [tilespmem:s18+$0x10];
	p1 =	sne.s32 s17, $0x1FC;
	[tilespmem:s15+$0x810 ss:$0x81] =	vst.msk $0xffff, v2;
	s19 =	smov.u32 s17;
	s17 =	sadd.s32 $0x4, s17  }
.Ltmp3:
0x35: {  	v2 =	vld [tilespmem:s18+$0xFFFFFFF0];
	[tilespmem:s15+$0x1020 ss:$0x81] =	vst.msk $0xffff, v0;
	(pc) =	sbr.rel @p1 .LBB1_3-.Ltmp3, $4  }
0x36: {  	v0 =	vld [tilespmem:s18+$0x0];
	[tilespmem:s15+$0x0 ss:$0x81] =	vst.msk $0xffff, v1  }
0x37: {  	s15 =	sshra.s32 s19, $0x2;
	v1 =	vld [tilespmem:s18+$0xFFFFFFE0]  }
0x38: {  	s15 =	sadd.s32 s15, s16  }
0x39: {  	s18 =	sadd.s32 $0x40, s18;
	[tilespmem:s15+$0x1830 ss:$0x81] =	vst.msk $0xffff, v3  }
.Ltmp4:
0x3a: {  	_ = 	snop;
	(pc) =	sbr.rel .LBB1_4-.Ltmp4, $1  }
0x3b: {  	_ =	sdelay $0x3  }
.LBB1_6:
0x3c: {  	_ =	sfence.sel $0x180000  }
0x3d: {  	s2 =	simm.s32 $0x1;
	[bflag:$0x0] =	sbarrier.arrive $0xFFFF  }
0x3e: {  	s31 =	simm.s32 $0x2;
	[sflag:s2] =	ssyncpa.u1 $0x1  }
0x3f: {  	[sflag:s31] =	ssyncpa.u1 $0x1  }
0x40: {  	p0 =	sne.s32 s0, $0x0;
	_ =	strace $0x9000004A  }
0x41: {  	s0 =	sadd.s32 @!p0 $0x100000, s1;
	[bflag:$0x2] =	sbarrier.arrive $0xFFFF  }
0x42: {  	[sflag:s0] =	ssyncadd.tile.s32 @!p0 $0x1;
	_ =	shalt  }
.Lfunc_end1:
_tile_overlayer_lowered:
.L_overlay_start_2:
0x43: {  	(tag) =	ssettag $0x2  }
0x44: {  	s0 =	rddreg [dreg:$0x0];
	s2 =	stileid.u32  }
0x45: {  	s1 =	rddreg [dreg:$0x1];
	p0 =	sne.s32 s2, $0x0  }
0x46: {  	s3 =	rddreg [dreg:$0x2];
	[bflag:$0x3] =	sbarrier.arrive $0xFFFF;
	s2 =	simm.s32 @!p0 $0x1C01  }
0x47: {  	[timem:s3], [sflag:s2] =	dma.local @!p0 [hbm:s0], s1  }
0x48: {  	s0 =	simm.s32 @!p0 $0x1  }
0x49: {  	_ =	swait.ge @!p0 [sflag:s0], s1  }
0x4a: {  	s1 =	ssub.s32 @!p0 $0x0, s1;
	[sflag:s0] =	ssyncset.done @!p0 $0x0  }
0x4b: {  	[sflag:s0] =	ssyncadd.s32 @!p0 s1  }
0x4c: {  	[bflag:$0x3] =	sbarrier.arrive $0xFFFF  }
0x4d: {  	_ =	shalt  }

</sc_bundles>
